<compile_context>
chip_gen: v7x
topology: tpu7x:2x2x1
jax: 0.10.2.dev20260603
libtpu: 0.0.44.dev20260713+nightly
codegen_flags: <defaults>
</compile_context>

<pallas_src>
import functools

import jax
import jax.numpy as jnp
from jax import lax
from jax.experimental import pallas as pl
from jax.experimental.pallas import tpu as pltpu
from jax.experimental.pallas import tpu_sc as plsc

_IGNORE = 255
_THRESH = 0.7
_MIN_KEPT = 100000

_NTILES = 32
_NPIXELS = 4 * 224 * 224
_CHUNK = _NPIXELS // _NTILES


def _ce_body(x_ref, t_ref, loss_ref, mp_ref):
    x = x_ref[0]
    t = t_ref[0]
    m = jnp.max(x, axis=0)
    sh = x - m[None]
    s = jnp.sum(jnp.exp(sh), axis=0)
    cls = lax.broadcasted_iota(jnp.int32, x.shape, 0)
    sh_t = jnp.sum(jnp.where(cls == t[None], sh, 0.0), axis=0)
    loss = jnp.log(s) - sh_t
    valid = t != _IGNORE
    loss_ref[0] = jnp.where(valid, loss, -1.0)
    mp_ref[0] = jnp.where(valid, 1.0 / s, 2.0)


def _sc_stats_body(loss_hbm, mp_hbm, stats_hbm, minv_hbm, lv, mv, sv, minsv):
    wid = lax.axis_index("s") * 2 + lax.axis_index("c")
    base = wid * _CHUNK
    pltpu.sync_copy(loss_hbm.at[pl.ds(base, _CHUNK)], lv)
    pltpu.sync_copy(mp_hbm.at[pl.ds(base, _CHUNK)], mv)

    def step(i, carry):
        acc_valid, acc_hard, acc_min = carry
        x = lv[pl.ds(i * 16, 16)]
        p = mv[pl.ds(i * 16, 16)]
        valid = x >= 0.0
        acc_valid = acc_valid + jnp.where(valid, 1, 0)
        acc_hard = acc_hard + jnp.where(p < _THRESH, 1, 0)
        acc_min = jnp.minimum(acc_min, jnp.where(valid, x, jnp.inf))
        return acc_valid, acc_hard, acc_min

    zero = jnp.zeros((16,), jnp.int32)
    acc_valid, acc_hard, acc_min = lax.fori_loop(
        0, _CHUNK // 16, step, (zero, zero, jnp.full((16,), jnp.inf, jnp.float32)))
    sv[0] = acc_valid
    sv[1] = acc_hard
    minsv[...] = acc_min
    pltpu.sync_copy(sv, stats_hbm.at[wid])
    pltpu.sync_copy(minsv, minv_hbm.at[wid])


_sc_stats = functools.partial(
    pl.kernel,
    out_type=[
        jax.ShapeDtypeStruct((_NTILES, 2, 16), jnp.int32),
        jax.ShapeDtypeStruct((_NTILES, 16), jnp.float32),
    ],
    mesh=plsc.VectorSubcoreMesh(core_axis_name="c", subcore_axis_name="s"),
    scratch_types=[
        pltpu.VMEM((_CHUNK,), jnp.float32),
        pltpu.VMEM((_CHUNK,), jnp.float32),
        pltpu.VMEM((2, 16), jnp.int32),
        pltpu.VMEM((16,), jnp.float32),
    ],
)(_sc_stats_body)


def _sel_body(loss_ref, stats_ref, minv_ref, out_ref):
    loss = loss_ref[...]
    stats = stats_ref[...]
    npix = jnp.sum(stats[:, 0, :])
    nhard = jnp.sum(stats[:, 1, :])
    min_kept = jnp.minimum(_MIN_KEPT, npix)
    k = jnp.minimum(jnp.maximum(min_kept, nhard), npix)
    bits = lax.bitcast_convert_type(loss, jnp.int32)

    def _fast(_):
        return jnp.min(minv_ref[...])

    def _slow(_):
        def step(_, lohi):
            lo, hi = lohi
            mid = lo + lax.div(hi - lo, 2)
            cnt = jnp.sum((bits >= mid).astype(jnp.int32))
            big = cnt >= k
            return jnp.where(big, mid, lo), jnp.where(big, hi, mid)

        lo, _ = lax.fori_loop(0, 31, step,
                              (jnp.int32(0), jnp.int32(0x7F800000)))
        return lax.bitcast_convert_type(lo, jnp.float32)

    thresh = lax.cond(k == npix, _fast, _slow, None)
    keep = loss >= thresh
    cnt = jnp.sum(keep.astype(jnp.int32))
    hsum = jnp.sum(jnp.where(keep, loss, 0.0))
    mean = hsum / jnp.maximum(cnt, 1).astype(jnp.float32)
    out_ref[...] = jnp.where(npix == 0, 0.0, mean).reshape(1, 1)


@functools.partial(jax.jit, static_argnames=("hb",))
def _run(logits, targets, hb=56):
    B, C, H, W = logits.shape
    nh = H // hb
    loss, mp = pl.pallas_call(
        _ce_body,
        grid=(B, nh),
        in_specs=[
            pl.BlockSpec((1, C, hb, W), lambda b, h: (b, 0, h, 0)),
            pl.BlockSpec((1, hb, W), lambda b, h: (b, h, 0)),
        ],
        out_specs=[
            pl.BlockSpec((1, hb, W), lambda b, h: (b, h, 0)),
            pl.BlockSpec((1, hb, W), lambda b, h: (b, h, 0)),
        ],
        out_shape=[
            jax.ShapeDtypeStruct((B, H, W), jnp.float32),
            jax.ShapeDtypeStruct((B, H, W), jnp.float32),
        ],
    )(logits, targets)
    stats, minv = _sc_stats(loss.reshape(-1), mp.reshape(-1))
    out = pl.pallas_call(
        _sel_body,
        out_shape=jax.ShapeDtypeStruct((1, 1), jnp.float32),
    )(loss, stats, minv)
    return out[0, 0]


def kernel(logits, targets):
    return _run(logits, targets)

# --- scband reference (transcript-rebuilt; emitter-appended) ---
"""Pipeline reference for scband-ohemcross-entropy-loss-58935541235936 (READ-ONLY COPY).

The authoritative reference and input builder live on the scoring server;
editing this copy changes nothing except your own understanding.
"""

import jax, jax.numpy as jnp
import numpy as np

IGNORE_INDEX = 255
THRESH = 0.7
MIN_KEPT = 100000


def setup_inputs(seed: int = 0):
    key = jax.random.key(seed)
    k1, k2 = jax.random.split(key)
    B, C, H, W = 4, 150, 224, 224
    logits = jax.random.normal(k1, (B, C, H, W), dtype=jnp.float32)
    targets = jax.random.randint(k2, (B, H, W), 0, 150).astype(jnp.int32)
    return {"logits": logits, "targets": targets}


def reference(logits, targets):
    B, C, H, W = logits.shape
    valid = targets != IGNORE_INDEX
    safe_t = jnp.where(valid, targets, 0)
    # per-pixel cross entropy, reduction='none', zero at ignored pixels
    logp = jax.nn.log_softmax(logits, axis=1)
    loss = -jnp.take_along_axis(logp, safe_t[:, None, :, :], axis=1)[:, 0]
    loss = jnp.where(valid, loss, 0.0)
    loss_flat_all = loss.reshape(-1)
    valid_flat = valid.reshape(-1)
    num_pixels = valid_flat.sum()
    loss_sorted = jnp.sort(jnp.where(valid_flat, loss_flat_all, -jnp.inf))[::-1]
    min_kept = jnp.minimum(MIN_KEPT, num_pixels)
    probs = jax.nn.softmax(logits, axis=1)
    max_probs = probs.max(axis=1)
    max_probs_flat = max_probs.reshape(-1)
    hard_mask = valid_flat & (max_probs_flat < THRESH)
    num_hard = hard_mask.sum()
    k = jnp.maximum(min_kept, num_hard)
    k = jnp.minimum(k, num_pixels)
    threshold_loss = loss_sorted[jnp.maximum(k - 1, 0)]
    keep = valid_flat & (loss_flat_all >= threshold_loss)
    keep_count = keep.sum()
    hard_sum = jnp.sum(jnp.where(keep, loss_flat_all, 0.0))
    hard_mean = hard_sum / jnp.maximum(keep_count, 1)
    return jnp.where(num_pixels == 0, loss.mean(), hard_mean)

if __name__ == "__main__":
    import jax
    _d = setup_inputs()
    print(jax.jit(kernel)(*tuple(_d.values())))

</pallas_src>

<mosaic_0001>
#map = affine_map<(d0, d1) -> (0)>
#map1 = affine_map<(d0, d1) -> (0, 0, 0)>
#map2 = affine_map<(d0, d1) -> (0, 0)>
module attributes {stable_mosaic.version = 14 : i64} {
  func.func @_sc_stats_body(%arg0: i32, %arg1: i32, %arg2: memref<200704xf32, #tpu.memory_space<hbm>>, %arg3: memref<200704xf32, #tpu.memory_space<hbm>>, %arg4: memref<32x2x16xi32, #tpu.memory_space<hbm>>, %arg5: memref<32x16xf32, #tpu.memory_space<hbm>>, %arg6: memref<6272xf32, #tpu.memory_space<vmem>>, %arg7: memref<6272xf32, #tpu.memory_space<vmem>>, %arg8: memref<2x16xi32, #tpu.memory_space<vmem>>, %arg9: memref<16xf32, #tpu.memory_space<vmem>>) attributes {dimension_semantics = [#tpu.dimension_semantics<core_parallel>, #tpu.dimension_semantics<subcore_parallel>], iteration_bounds = array<i64: 2, 16>, scalar_prefetch = 0 : i64, scratch_operands = 4 : i64, tpu.core_type = #tpu.core_type<sc_vector_subcore>, window_params = [{transform_indices = #map}, {transform_indices = #map}, {transform_indices = #map1}, {transform_indices = #map2}]} {
    %mul3A = arith.constant 2 : i32
    %mul3A_0 = arith.muli %arg1, %mul3A : i32
    %add3A = arith.addi %mul3A_0, %arg0 : i32
    %mul3A_1 = arith.constant 6272 : i32
    %mul3A_2 = arith.muli %add3A, %mul3A_1 : i32
    "tpu.region"() ({
      %run_scoped3A = tpu.sem_alloc : memref<!tpu.dma_semaphore, #tpu.memory_space<semaphore_mem>>
      %dma_start3A = tpu.memref_slice %arg2[%mul3A_2] : memref<200704xf32, #tpu.memory_space<hbm>> -> memref<6272xf32, #tpu.memory_space<hbm>>
      %dma_start3A_26 = tpu.memref_slice %arg2[%mul3A_2] : memref<200704xf32, #tpu.memory_space<hbm>> -> memref<6272xf32, #tpu.memory_space<hbm>>
      tpu.enqueue_dma source(%dma_start3A_26 : memref<6272xf32, #tpu.memory_space<hbm>>) target(%arg6 : memref<6272xf32, #tpu.memory_space<vmem>>) target_semaphore(%run_scoped3A : memref<!tpu.dma_semaphore, #tpu.memory_space<semaphore_mem>>)
      %dma_wait3A = tpu.memref_slice %arg2[%mul3A_2] : memref<200704xf32, #tpu.memory_space<hbm>> -> memref<6272xf32, #tpu.memory_space<hbm>>
      %dma_wait3A_27 = tpu.memref_slice %arg2[%mul3A_2] : memref<200704xf32, #tpu.memory_space<hbm>> -> memref<6272xf32, #tpu.memory_space<hbm>>
      tpu.wait_dma2 semaphore(%run_scoped3A : memref<!tpu.dma_semaphore, #tpu.memory_space<semaphore_mem>>) src(%dma_wait3A_27 : memref<6272xf32, #tpu.memory_space<hbm>>) dst(%arg6 : memref<6272xf32, #tpu.memory_space<vmem>>)
      tpu.yield
    }) : () -> ()
    "tpu.region"() ({
      %run_scoped3A = tpu.sem_alloc : memref<!tpu.dma_semaphore, #tpu.memory_space<semaphore_mem>>
      %dma_start3A = tpu.memref_slice %arg3[%mul3A_2] : memref<200704xf32, #tpu.memory_space<hbm>> -> memref<6272xf32, #tpu.memory_space<hbm>>
      %dma_start3A_26 = tpu.memref_slice %arg3[%mul3A_2] : memref<200704xf32, #tpu.memory_space<hbm>> -> memref<6272xf32, #tpu.memory_space<hbm>>
      tpu.enqueue_dma source(%dma_start3A_26 : memref<6272xf32, #tpu.memory_space<hbm>>) target(%arg7 : memref<6272xf32, #tpu.memory_space<vmem>>) target_semaphore(%run_scoped3A : memref<!tpu.dma_semaphore, #tpu.memory_space<semaphore_mem>>)
      %dma_wait3A = tpu.memref_slice %arg3[%mul3A_2] : memref<200704xf32, #tpu.memory_space<hbm>> -> memref<6272xf32, #tpu.memory_space<hbm>>
      %dma_wait3A_27 = tpu.memref_slice %arg3[%mul3A_2] : memref<200704xf32, #tpu.memory_space<hbm>> -> memref<6272xf32, #tpu.memory_space<hbm>>
      tpu.wait_dma2 semaphore(%run_scoped3A : memref<!tpu.dma_semaphore, #tpu.memory_space<semaphore_mem>>) src(%dma_wait3A_27 : memref<6272xf32, #tpu.memory_space<hbm>>) dst(%arg7 : memref<6272xf32, #tpu.memory_space<vmem>>)
      tpu.yield
    }) : () -> ()
    %broadcast_in_dim3A = arith.constant 0 : i32
    %broadcast_in_dim3A_3 = vector.broadcast %broadcast_in_dim3A : i32 to vector<16xi32>
    %broadcast_in_dim3A_4 = arith.constant 0x7F800000 : f32
    %broadcast_in_dim3A_5 = vector.broadcast %broadcast_in_dim3A_4 : f32 to vector<16xf32>
    %scan3A = arith.constant 0 : i32
    %scan3A_6 = arith.constant 392 : i32
    %scan3A_7 = arith.addi %scan3A, %scan3A_6 : i32
    %scan3A_8 = arith.constant 1 : i32
    %scan3A_9:3 = scf.for %scan3A_26 = %scan3A to %scan3A_7 step %scan3A_8 iter_args(%scan3A_27 = %broadcast_in_dim3A_3, %scan3A_28 = %broadcast_in_dim3A_3, %scan3A_29 = %broadcast_in_dim3A_5) -> (vector<16xi32>, vector<16xi32>, vector<16xf32>)  : i32 {
      %mul3A_30 = arith.constant 16 : i32
      %mul3A_31 = arith.muli %scan3A_26, %mul3A_30 : i32
      %get3A = arith.index_cast %mul3A_31 : i32 to index
      %get3A_32 = tpu.vector_load %arg6[%get3A] {strides = array<i32>} : memref<6272xf32, #tpu.memory_space<vmem>>, vector<16xf32>,
      %get3A_33 = vector.shape_cast %get3A_32 : vector<16xf32> to vector<16xf32>
      %mul3A_34 = arith.constant 16 : i32
      %mul3A_35 = arith.muli %scan3A_26, %mul3A_34 : i32
      %get3A_36 = arith.index_cast %mul3A_35 : i32 to index
      %get3A_37 = tpu.vector_load %arg7[%get3A_36] {strides = array<i32>} : memref<6272xf32, #tpu.memory_space<vmem>>, vector<16xf32>,
      %get3A_38 = vector.shape_cast %get3A_37 : vector<16xf32> to vector<16xf32>
      %ge3A = arith.constant 0.000000e+00 : f32
      %ge3A_39 = vector.broadcast %ge3A : f32 to vector<16xf32>
      %ge3A_40 = arith.cmpf oge, %get3A_33, %ge3A_39 : vector<16xf32>
      %jit3A = arith.constant 1 : i32
      %jit3A_41 = arith.constant 0 : i32
      %broadcast_in_dim3A_42 = vector.broadcast %jit3A : i32 to vector<16xi32>
      %broadcast_in_dim3A_43 = vector.broadcast %jit3A_41 : i32 to vector<16xi32>
      %select_n3A = arith.select %ge3A_40, %broadcast_in_dim3A_42, %broadcast_in_dim3A_43 : vector<16xi1>, vector<16xi32>
      %add3A_44 = arith.addi %scan3A_27, %select_n3A : vector<16xi32>
      %lt3A = arith.constant 0.699999988 : f32
      %lt3A_45 = vector.broadcast %lt3A : f32 to vector<16xf32>
      %lt3A_46 = arith.cmpf olt, %get3A_38, %lt3A_45 : vector<16xf32>
      %jit3A_47 = arith.constant 1 : i32
      %jit3A_48 = arith.constant 0 : i32
      %broadcast_in_dim3A_49 = vector.broadcast %jit3A_47 : i32 to vector<16xi32>
      %broadcast_in_dim3A_50 = vector.broadcast %jit3A_48 : i32 to vector<16xi32>
      %select_n3A_51 = arith.select %lt3A_46, %broadcast_in_dim3A_49, %broadcast_in_dim3A_50 : vector<16xi1>, vector<16xi32>
      %add3A_52 = arith.addi %scan3A_28, %select_n3A_51 : vector<16xi32>
      %jit3A_53 = arith.constant 0x7F800000 : f32
      %broadcast_in_dim3A_54 = vector.broadcast %jit3A_53 : f32 to vector<16xf32>
      %select_n3A_55 = arith.select %ge3A_40, %get3A_33, %broadcast_in_dim3A_54 : vector<16xi1>, vector<16xf32>
      %min3A = arith.minimumf %scan3A_29, %select_n3A_55 : vector<16xf32>
      scf.yield %add3A_44, %add3A_52, %min3A : vector<16xi32>, vector<16xi32>, vector<16xf32>
    }
    %scan3A_10 = arith.constant 392 : i32
    %swap3A = arith.constant 0 : i32
    %swap3A_11 = arith.index_cast %swap3A : i32 to index
    %swap3A_12 = arith.constant 0 : index
    %swap3A_13 = tpu.vector_load %arg8[%swap3A_11, %swap3A_12] {strides = array<i32>} : memref<2x16xi32, #tpu.memory_space<vmem>>, vector<1x16xi32>,
    %swap3A_14 = vector.shape_cast %swap3A_13 : vector<1x16xi32> to vector<16xi32>
    %swap3A_15 = vector.shape_cast %scan3A_9#0 : vector<16xi32> to vector<1x16xi32>
    tpu.vector_store %arg8[%swap3A_11, %swap3A_12], %swap3A_15 {strides = array<i32>} : memref<2x16xi32, #tpu.memory_space<vmem>>, vector<1x16xi32>,
    %swap3A_16 = arith.constant 1 : i32
    %swap3A_17 = arith.index_cast %swap3A_16 : i32 to index
    %swap3A_18 = arith.constant 0 : index
    %swap3A_19 = tpu.vector_load %arg8[%swap3A_17, %swap3A_18] {strides = array<i32>} : memref<2x16xi32, #tpu.memory_space<vmem>>, vector<1x16xi32>,
    %swap3A_20 = vector.shape_cast %swap3A_19 : vector<1x16xi32> to vector<16xi32>
    %swap3A_21 = vector.shape_cast %scan3A_9#1 : vector<16xi32> to vector<1x16xi32>
    tpu.vector_store %arg8[%swap3A_17, %swap3A_18], %swap3A_21 {strides = array<i32>} : memref<2x16xi32, #tpu.memory_space<vmem>>, vector<1x16xi32>,
    %swap3A_22 = arith.constant 0 : index
    %swap3A_23 = tpu.vector_load %arg9[%swap3A_22] {strides = array<i32>} : memref<16xf32, #tpu.memory_space<vmem>>, vector<16xf32>,
    %swap3A_24 = vector.shape_cast %swap3A_23 : vector<16xf32> to vector<16xf32>
    %swap3A_25 = vector.shape_cast %scan3A_9#2 : vector<16xf32> to vector<16xf32>
    tpu.vector_store %arg9[%swap3A_22], %swap3A_25 {strides = array<i32>} : memref<16xf32, #tpu.memory_space<vmem>>, vector<16xf32>,
    "tpu.region"() ({
      %run_scoped3A = tpu.sem_alloc : memref<!tpu.dma_semaphore, #tpu.memory_space<semaphore_mem>>
      %dma_start3A = arith.constant 0 : i32
      %dma_start3A_26 = arith.constant 0 : i32
      %dma_start3A_27 = tpu.memref_slice %arg4[%add3A, %dma_start3A, %dma_start3A_26] : memref<32x2x16xi32, #tpu.memory_space<hbm>> -> memref<1x2x16xi32, #tpu.memory_space<hbm>>
      %dma_start3A_28 = tpu.memref_squeeze %dma_start3A_27 : memref<1x2x16xi32, #tpu.memory_space<hbm>> -> memref<2x16xi32, #tpu.memory_space<hbm>>
      %dma_start3A_29 = arith.constant 0 : i32
      %dma_start3A_30 = arith.constant 0 : i32
      %dma_start3A_31 = tpu.memref_slice %arg4[%add3A, %dma_start3A_29, %dma_start3A_30] : memref<32x2x16xi32, #tpu.memory_space<hbm>> -> memref<1x2x16xi32, #tpu.memory_space<hbm>>
      %dma_start3A_32 = tpu.memref_squeeze %dma_start3A_31 : memref<1x2x16xi32, #tpu.memory_space<hbm>> -> memref<2x16xi32, #tpu.memory_space<hbm>>
      tpu.enqueue_dma source(%arg8 : memref<2x16xi32, #tpu.memory_space<vmem>>) target(%dma_start3A_32 : memref<2x16xi32, #tpu.memory_space<hbm>>) target_semaphore(%run_scoped3A : memref<!tpu.dma_semaphore, #tpu.memory_space<semaphore_mem>>)
      %dma_wait3A = arith.constant 0 : i32
      %dma_wait3A_33 = arith.constant 0 : i32
      %dma_wait3A_34 = tpu.memref_slice %arg4[%add3A, %dma_wait3A, %dma_wait3A_33] : memref<32x2x16xi32, #tpu.memory_space<hbm>> -> memref<1x2x16xi32, #tpu.memory_space<hbm>>
      %dma_wait3A_35 = tpu.memref_squeeze %dma_wait3A_34 : memref<1x2x16xi32, #tpu.memory_space<hbm>> -> memref<2x16xi32, #tpu.memory_space<hbm>>
      %dma_wait3A_36 = arith.constant 0 : i32
      %dma_wait3A_37 = arith.constant 0 : i32
      %dma_wait3A_38 = tpu.memref_slice %arg4[%add3A, %dma_wait3A_36, %dma_wait3A_37] : memref<32x2x16xi32, #tpu.memory_space<hbm>> -> memref<1x2x16xi32, #tpu.memory_space<hbm>>
      %dma_wait3A_39 = tpu.memref_squeeze %dma_wait3A_38 : memref<1x2x16xi32, #tpu.memory_space<hbm>> -> memref<2x16xi32, #tpu.memory_space<hbm>>
      tpu.wait_dma2 semaphore(%run_scoped3A : memref<!tpu.dma_semaphore, #tpu.memory_space<semaphore_mem>>) src(%arg8 : memref<2x16xi32, #tpu.memory_space<vmem>>) dst(%dma_wait3A_39 : memref<2x16xi32, #tpu.memory_space<hbm>>)
      tpu.yield
    }) : () -> ()
    "tpu.region"() ({
      %run_scoped3A = tpu.sem_alloc : memref<!tpu.dma_semaphore, #tpu.memory_space<semaphore_mem>>
      %dma_start3A = arith.constant 0 : i32
      %dma_start3A_26 = tpu.memref_slice %arg5[%add3A, %dma_start3A] : memref<32x16xf32, #tpu.memory_space<hbm>> -> memref<1x16xf32, #tpu.memory_space<hbm>>
      %dma_start3A_27 = tpu.memref_squeeze %dma_start3A_26 : memref<1x16xf32, #tpu.memory_space<hbm>> -> memref<16xf32, #tpu.memory_space<hbm>>
      %dma_start3A_28 = arith.constant 0 : i32
      %dma_start3A_29 = tpu.memref_slice %arg5[%add3A, %dma_start3A_28] : memref<32x16xf32, #tpu.memory_space<hbm>> -> memref<1x16xf32, #tpu.memory_space<hbm>>
      %dma_start3A_30 = tpu.memref_squeeze %dma_start3A_29 : memref<1x16xf32, #tpu.memory_space<hbm>> -> memref<16xf32, #tpu.memory_space<hbm>>
      tpu.enqueue_dma source(%arg9 : memref<16xf32, #tpu.memory_space<vmem>>) target(%dma_start3A_30 : memref<16xf32, #tpu.memory_space<hbm>>) target_semaphore(%run_scoped3A : memref<!tpu.dma_semaphore, #tpu.memory_space<semaphore_mem>>)
      %dma_wait3A = arith.constant 0 : i32
      %dma_wait3A_31 = tpu.memref_slice %arg5[%add3A, %dma_wait3A] : memref<32x16xf32, #tpu.memory_space<hbm>> -> memref<1x16xf32, #tpu.memory_space<hbm>>
      %dma_wait3A_32 = tpu.memref_squeeze %dma_wait3A_31 : memref<1x16xf32, #tpu.memory_space<hbm>> -> memref<16xf32, #tpu.memory_space<hbm>>
      %dma_wait3A_33 = arith.constant 0 : i32
      %dma_wait3A_34 = tpu.memref_slice %arg5[%add3A, %dma_wait3A_33] : memref<32x16xf32, #tpu.memory_space<hbm>> -> memref<1x16xf32, #tpu.memory_space<hbm>>
      %dma_wait3A_35 = tpu.memref_squeeze %dma_wait3A_34 : memref<1x16xf32, #tpu.memory_space<hbm>> -> memref<16xf32, #tpu.memory_space<hbm>>
      tpu.wait_dma2 semaphore(%run_scoped3A : memref<!tpu.dma_semaphore, #tpu.memory_space<semaphore_mem>>) src(%arg9 : memref<16xf32, #tpu.memory_space<vmem>>) dst(%dma_wait3A_35 : memref<16xf32, #tpu.memory_space<hbm>>)
      tpu.yield
    }) : () -> ()
    return
  }
}

module attributes {stable_mosaic.version = 14 : i64} {
  func.func @_sel_body(%arg0: memref<4x224x224xf32, #tpu.memory_space<vmem>>, %arg1: memref<32x2x16xi32, #tpu.memory_space<vmem>>, %arg2: memref<32x16xf32, #tpu.memory_space<vmem>>, %arg3: memref<1x1xf32, #tpu.memory_space<vmem>>) attributes {dimension_semantics = [], scalar_prefetch = 0 : i64, scratch_operands = 0 : i64, tpu.core_type = #tpu.core_type<tc>} {
    %get3A = arith.constant 0 : index
    %get3A_0 = arith.constant 0 : index
    %get3A_1 = arith.constant 0 : index
    %get3A_2 = vector.load %arg0[%get3A, %get3A_0, %get3A_1] : memref<4x224x224xf32, #tpu.memory_space<vmem>>, vector<4x224x224xf32>
    %get3A_3 = arith.constant 0 : index
    %get3A_4 = arith.constant 0 : index
    %get3A_5 = arith.constant 0 : index
    %get3A_6 = vector.load %arg1[%get3A_3, %get3A_4, %get3A_5] : memref<32x2x16xi32, #tpu.memory_space<vmem>>, vector<32x2x16xi32>
    %slice3A = vector.extract_strided_slice %get3A_6 {offsets = [0, 0, 0], sizes = [32, 1, 16], strides = [1, 1, 1]} : vector<32x2x16xi32> to vector<32x1x16xi32>
    %squeeze3A = vector.shape_cast %slice3A : vector<32x1x16xi32> to vector<32x16xi32>
    %reduce_sum3A = vector.shape_cast %squeeze3A : vector<32x16xi32> to vector<1x32x16xi32>
    %reduce_sum3A_7 = arith.constant dense<0> : vector<1xi32>
    %reduce_sum3A_8 = vector.multi_reduction <add>, %reduce_sum3A, %reduce_sum3A_7 [1, 2] : vector<1x32x16xi32> to vector<1xi32>
    %reduce_sum3A_9 = vector.shape_cast %reduce_sum3A_8 : vector<1xi32> to vector<1x1x1xi32>
    %reduce_sum3A_10 = vector.extract %reduce_sum3A_9[0, 0, 0] : i32 from vector<1x1x1xi32>
    %slice3A_11 = vector.extract_strided_slice %get3A_6 {offsets = [0, 1, 0], sizes = [32, 1, 16], strides = [1, 1, 1]} : vector<32x2x16xi32> to vector<32x1x16xi32>
    %squeeze3A_12 = vector.shape_cast %slice3A_11 : vector<32x1x16xi32> to vector<32x16xi32>
    %reduce_sum3A_13 = vector.shape_cast %squeeze3A_12 : vector<32x16xi32> to vector<1x32x16xi32>
    %reduce_sum3A_14 = arith.constant dense<0> : vector<1xi32>
    %reduce_sum3A_15 = vector.multi_reduction <add>, %reduce_sum3A_13, %reduce_sum3A_14 [1, 2] : vector<1x32x16xi32> to vector<1xi32>
    %reduce_sum3A_16 = vector.shape_cast %reduce_sum3A_15 : vector<1xi32> to vector<1x1x1xi32>
    %reduce_sum3A_17 = vector.extract %reduce_sum3A_16[0, 0, 0] : i32 from vector<1x1x1xi32>
    %min3A = arith.constant 100000 : i32
    %min3A_18 = arith.minsi %min3A, %reduce_sum3A_10 : i32
    %max3A = arith.maxsi %min3A_18, %reduce_sum3A_17 : i32
    %min3A_19 = arith.minsi %max3A, %reduce_sum3A_10 : i32
    %bitcast_convert_type3A = tpu.bitcast %get3A_2 : vector<4x224x224xf32> -> vector<4x224x224xi32>
    %eq3A = arith.cmpi eq, %min3A_19, %reduce_sum3A_10 : i32
    %convert_element_type3A = arith.extui %eq3A : i1 to i32
    %cond3A = arith.constant 0 : i32
    %cond3A_20 = arith.cmpi ne, %convert_element_type3A, %cond3A : i32
    %cond3A_21 = scf.if %cond3A_20 -> (f32) {
      %get3A_43 = arith.constant 0 : index
      %get3A_44 = arith.constant 0 : index
      %get3A_45 = vector.load %arg2[%get3A_43, %get3A_44] : memref<32x16xf32, #tpu.memory_space<vmem>>, vector<32x16xf32>
      %reduce_min3A = vector.shape_cast %get3A_45 : vector<32x16xf32> to vector<1x32x16xf32>
      %reduce_min3A_46 = arith.constant dense<0x7F800000> : vector<1xf32>
      %reduce_min3A_47 = vector.multi_reduction <minimumf>, %reduce_min3A, %reduce_min3A_46 [1, 2] : vector<1x32x16xf32> to vector<1xf32>
      %reduce_min3A_48 = vector.shape_cast %reduce_min3A_47 : vector<1xf32> to vector<1x1x1xf32>
      %reduce_min3A_49 = vector.extract %reduce_min3A_48[0, 0, 0] : f32 from vector<1x1x1xf32>
      scf.yield %reduce_min3A_49 : f32
    } else {
      %scan3A = arith.constant 0 : i32
      %scan3A_43 = arith.constant 2139095040 : i32
      %scan3A_44 = arith.constant 0 : i32
      %scan3A_45 = arith.constant 31 : i32
      %scan3A_46 = arith.addi %scan3A_44, %scan3A_45 : i32
      %scan3A_47 = arith.constant 1 : i32
      %scan3A_48:2 = scf.for %scan3A_50 = %scan3A_44 to %scan3A_46 step %scan3A_47 iter_args(%scan3A_51 = %scan3A, %scan3A_52 = %scan3A_43) -> (i32, i32)  : i32 {
        %sub3A = arith.subi %scan3A_52, %scan3A_51 : i32
        %div3A_53 = arith.constant 2 : i32
        %div3A_54 = arith.divsi %sub3A, %div3A_53 : i32
        %add3A = arith.addi %scan3A_51, %div3A_54 : i32
        %ge3A_55 = vector.broadcast %add3A : i32 to vector<4x224x224xi32>
        %ge3A_56 = arith.cmpi sge, %bitcast_convert_type3A, %ge3A_55 : vector<4x224x224xi32>
        %convert_element_type3A_57 = arith.extui %ge3A_56 : vector<4x224x224xi1> to vector<4x224x224xi32>
        %reduce_sum3A_58 = vector.shape_cast %convert_element_type3A_57 : vector<4x224x224xi32> to vector<1x4x224x224xi32>
        %reduce_sum3A_59 = arith.constant dense<0> : vector<1xi32>
        %reduce_sum3A_60 = vector.multi_reduction <add>, %reduce_sum3A_58, %reduce_sum3A_59 [1, 2, 3] : vector<1x4x224x224xi32> to vector<1xi32>
        %reduce_sum3A_61 = vector.shape_cast %reduce_sum3A_60 : vector<1xi32> to vector<1x1x1x1xi32>
        %reduce_sum3A_62 = vector.extract %reduce_sum3A_61[0, 0, 0, 0] : i32 from vector<1x1x1x1xi32>
        %ge3A_63 = arith.cmpi sge, %reduce_sum3A_62, %min3A_19 : i32
        %select_n3A_64 = arith.select %ge3A_63, %add3A, %scan3A_51 : i32
        %select_n3A_65 = arith.select %ge3A_63, %scan3A_52, %add3A : i32
        scf.yield %select_n3A_64, %select_n3A_65 : i32, i32
      }
      %bitcast_convert_type3A_49 = arith.bitcast %scan3A_48#0 : i32 to f32
      scf.yield %bitcast_convert_type3A_49 : f32
    }
    %ge3A = vector.broadcast %cond3A_21 : f32 to vector<4x224x224xf32>
    %ge3A_22 = arith.cmpf oge, %get3A_2, %ge3A : vector<4x224x224xf32>
    %convert_element_type3A_23 = arith.extui %ge3A_22 : vector<4x224x224xi1> to vector<4x224x224xi32>
    %reduce_sum3A_24 = vector.shape_cast %convert_element_type3A_23 : vector<4x224x224xi32> to vector<1x4x224x224xi32>
    %reduce_sum3A_25 = arith.constant dense<0> : vector<1xi32>
    %reduce_sum3A_26 = vector.multi_reduction <add>, %reduce_sum3A_24, %reduce_sum3A_25 [1, 2, 3] : vector<1x4x224x224xi32> to vector<1xi32>
    %reduce_sum3A_27 = vector.shape_cast %reduce_sum3A_26 : vector<1xi32> to vector<1x1x1x1xi32>
    %reduce_sum3A_28 = vector.extract %reduce_sum3A_27[0, 0, 0, 0] : i32 from vector<1x1x1x1xi32>
    %jit3A = arith.constant 0.000000e+00 : f32
    %broadcast_in_dim3A = vector.broadcast %jit3A : f32 to vector<4x224x224xf32>
    %select_n3A = arith.select %ge3A_22, %get3A_2, %broadcast_in_dim3A : vector<4x224x224xi1>, vector<4x224x224xf32>
    %reduce_sum3A_29 = vector.shape_cast %select_n3A : vector<4x224x224xf32> to vector<1x4x224x224xf32>
    %reduce_sum3A_30 = arith.constant dense<0.000000e+00> : vector<1xf32>
    %reduce_sum3A_31 = vector.multi_reduction <add>, %reduce_sum3A_29, %reduce_sum3A_30 [1, 2, 3] : vector<1x4x224x224xf32> to vector<1xf32>
    %reduce_sum3A_32 = vector.shape_cast %reduce_sum3A_31 : vector<1xf32> to vector<1x1x1x1xf32>
    %reduce_sum3A_33 = vector.extract %reduce_sum3A_32[0, 0, 0, 0] : f32 from vector<1x1x1x1xf32>
    %max3A_34 = arith.constant 1 : i32
    %max3A_35 = arith.maxsi %reduce_sum3A_28, %max3A_34 : i32
    %convert_element_type3A_36 = arith.sitofp %max3A_35 : i32 to f32
    %div3A = arith.divf %reduce_sum3A_33, %convert_element_type3A_36 : f32
    %eq3A_37 = arith.constant 0 : i32
    %eq3A_38 = arith.cmpi eq, %reduce_sum3A_10, %eq3A_37 : i32
    %jit3A_39 = arith.constant 0.000000e+00 : f32
    %select_n3A_40 = arith.select %eq3A_38, %jit3A_39, %div3A : f32
    %reshape3A = vector.broadcast %select_n3A_40 : f32 to vector<1x1xf32>
    %swap3A = arith.constant 0 : index
    %swap3A_41 = arith.constant 0 : index
    %swap3A_42 = vector.load %arg3[%swap3A, %swap3A_41] : memref<1x1xf32, #tpu.memory_space<vmem>>, vector<1x1xf32>
    tpu.vector_store %arg3[%swap3A, %swap3A_41], %reshape3A {strides = array<i32>} : memref<1x1xf32, #tpu.memory_space<vmem>>, vector<1x1xf32>,
    return
  }
}

module attributes {stable_mosaic.version = 14 : i64} {
  func.func @_ce_body(%arg0: i32, %arg1: i32, %arg2: memref<1x150x56x224xf32, #tpu.memory_space<vmem>>, %arg3: memref<1x56x224xi32, #tpu.memory_space<vmem>>, %arg4: memref<1x56x224xf32, #tpu.memory_space<vmem>>, %arg5: memref<1x56x224xf32, #tpu.memory_space<vmem>>) attributes {dimension_semantics = [#tpu.dimension_semantics<arbitrary>, #tpu.dimension_semantics<arbitrary>], iteration_bounds = array<i64: 4, 4>, scalar_prefetch = 0 : i64, scratch_operands = 0 : i64, tpu.core_type = #tpu.core_type<tc>, window_params = [{transform_indices = @transform_0, window_bounds = array<i64: 1, 150, 56, 224>}, {transform_indices = @transform_1, window_bounds = array<i64: 1, 56, 224>}, {transform_indices = @transform_2, window_bounds = array<i64: 1, 56, 224>}, {transform_indices = @transform_3, window_bounds = array<i64: 1, 56, 224>}]} {
    %get3A = arith.constant 0 : index
    %get3A_0 = arith.constant 0 : index
    %get3A_1 = arith.constant 0 : index
    %get3A_2 = arith.constant 0 : index
    %get3A_3 = vector.load %arg2[%get3A, %get3A_0, %get3A_1, %get3A_2] : memref<1x150x56x224xf32, #tpu.memory_space<vmem>>, vector<1x150x56x224xf32>
    %get3A_4 = vector.shape_cast %get3A_3 : vector<1x150x56x224xf32> to vector<150x56x224xf32>
    %get3A_5 = arith.constant 0 : index
    %get3A_6 = arith.constant 0 : index
    %get3A_7 = arith.constant 0 : index
    %get3A_8 = vector.load %arg3[%get3A_5, %get3A_6, %get3A_7] : memref<1x56x224xi32, #tpu.memory_space<vmem>>, vector<1x56x224xi32>
    %get3A_9 = vector.shape_cast %get3A_8 : vector<1x56x224xi32> to vector<56x224xi32>
    %reduce_max3A = arith.constant dense<0xFF800000> : vector<56x224xf32>
    %reduce_max3A_10 = vector.multi_reduction <maximumf>, %get3A_4, %reduce_max3A [0] : vector<150x56x224xf32> to vector<56x224xf32>
    %broadcast_in_dim3A = vector.shape_cast %reduce_max3A_10 : vector<56x224xf32> to vector<1x56x224xf32>
    %sub3A = vector.broadcast %broadcast_in_dim3A : vector<1x56x224xf32> to vector<150x56x224xf32>
    %sub3A_11 = arith.subf %get3A_4, %sub3A : vector<150x56x224xf32>
    %exp3A = math.exp %sub3A_11 : vector<150x56x224xf32>
    %reduce_sum3A = arith.constant dense<0.000000e+00> : vector<56x224xf32>
    %reduce_sum3A_12 = vector.multi_reduction <add>, %exp3A, %reduce_sum3A [0] : vector<150x56x224xf32> to vector<56x224xf32>
    %iota3A = tpu.iota {dimensions = array<i32: 0>} : vector<150x56x224xi32>
    %broadcast_in_dim3A_13 = vector.shape_cast %get3A_9 : vector<56x224xi32> to vector<1x56x224xi32>
    %eq3A = vector.broadcast %broadcast_in_dim3A_13 : vector<1x56x224xi32> to vector<150x56x224xi32>
    %eq3A_14 = arith.cmpi eq, %iota3A, %eq3A : vector<150x56x224xi32>
    %jit3A = arith.constant 0.000000e+00 : f32
    %broadcast_in_dim3A_15 = vector.broadcast %jit3A : f32 to vector<150x56x224xf32>
    %select_n3A = arith.select %eq3A_14, %sub3A_11, %broadcast_in_dim3A_15 : vector<150x56x224xi1>, vector<150x56x224xf32>
    %reduce_sum3A_16 = arith.constant dense<0.000000e+00> : vector<56x224xf32>
    %reduce_sum3A_17 = vector.multi_reduction <add>, %select_n3A, %reduce_sum3A_16 [0] : vector<150x56x224xf32> to vector<56x224xf32>
    %log3A = math.log %reduce_sum3A_12 : vector<56x224xf32>
    %sub3A_18 = arith.subf %log3A, %reduce_sum3A_17 : vector<56x224xf32>
    %ne3A = arith.constant 255 : i32
    %ne3A_19 = vector.broadcast %ne3A : i32 to vector<56x224xi32>
    %ne3A_20 = arith.cmpi ne, %get3A_9, %ne3A_19 : vector<56x224xi32>
    %jit3A_21 = arith.constant -1.000000e+00 : f32
    %broadcast_in_dim3A_22 = vector.broadcast %jit3A_21 : f32 to vector<56x224xf32>
    %select_n3A_23 = arith.select %ne3A_20, %sub3A_18, %broadcast_in_dim3A_22 : vector<56x224xi1>, vector<56x224xf32>
    %swap3A = arith.constant 0 : index
    %swap3A_24 = arith.constant 0 : index
    %swap3A_25 = arith.constant 0 : index
    %swap3A_26 = vector.load %arg4[%swap3A, %swap3A_24, %swap3A_25] : memref<1x56x224xf32, #tpu.memory_space<vmem>>, vector<1x56x224xf32>
    %swap3A_27 = vector.shape_cast %swap3A_26 : vector<1x56x224xf32> to vector<56x224xf32>
    %swap3A_28 = vector.shape_cast %select_n3A_23 : vector<56x224xf32> to vector<1x56x224xf32>
    tpu.vector_store %arg4[%swap3A, %swap3A_24, %swap3A_25], %swap3A_28 {strides = array<i32>} : memref<1x56x224xf32, #tpu.memory_space<vmem>>, vector<1x56x224xf32>,
    %div3A = arith.constant 1.000000e+00 : f32
    %div3A_29 = vector.broadcast %div3A : f32 to vector<56x224xf32>
    %div3A_30 = arith.divf %div3A_29, %reduce_sum3A_12 : vector<56x224xf32>
    %jit3A_31 = arith.constant 2.000000e+00 : f32
    %broadcast_in_dim3A_32 = vector.broadcast %jit3A_31 : f32 to vector<56x224xf32>
    %select_n3A_33 = arith.select %ne3A_20, %div3A_30, %broadcast_in_dim3A_32 : vector<56x224xi1>, vector<56x224xf32>
    %swap3A_34 = arith.constant 0 : index
    %swap3A_35 = arith.constant 0 : index
    %swap3A_36 = arith.constant 0 : index
    %swap3A_37 = vector.load %arg5[%swap3A_34, %swap3A_35, %swap3A_36] : memref<1x56x224xf32, #tpu.memory_space<vmem>>, vector<1x56x224xf32>
    %swap3A_38 = vector.shape_cast %swap3A_37 : vector<1x56x224xf32> to vector<56x224xf32>
    %swap3A_39 = vector.shape_cast %select_n3A_33 : vector<56x224xf32> to vector<1x56x224xf32>
    tpu.vector_store %arg5[%swap3A_34, %swap3A_35, %swap3A_36], %swap3A_39 {strides = array<i32>} : memref<1x56x224xf32, #tpu.memory_space<vmem>>, vector<1x56x224xf32>,
    return
  }
  func.func @transform_0(%arg0: i32, %arg1: i32) -> (i32, i32, i32, i32) {
    %c0_i32 = arith.constant 0 : i32
    %c0_i32_0 = arith.constant 0 : i32
    %c0_i32_1 = arith.constant 0 : i32
    return %arg0, %c0_i32, %arg1, %c0_i32_0 : i32, i32, i32, i32
  }
  func.func @transform_1(%arg0: i32, %arg1: i32) -> (i32, i32, i32) {
    %c0_i32 = arith.constant 0 : i32
    %c0_i32_0 = arith.constant 0 : i32
    return %arg0, %arg1, %c0_i32 : i32, i32, i32
  }
  func.func @transform_2(%arg0: i32, %arg1: i32) -> (i32, i32, i32) {
    %c0_i32 = arith.constant 0 : i32
    %c0_i32_0 = arith.constant 0 : i32
    return %arg0, %arg1, %c0_i32 : i32, i32, i32
  }
  func.func @transform_3(%arg0: i32, %arg1: i32) -> (i32, i32, i32) {
    %c0_i32 = arith.constant 0 : i32
    %c0_i32_0 = arith.constant 0 : i32
    return %arg0, %arg1, %c0_i32 : i32, i32, i32
  }
}

</mosaic_0001>

<sc_bundles>
// kernel: _run.5.cloned.1.call-start
scs
__scs_entry_jumppad:
0x0: {  	(pc) =	sbr.rel $0x88, $3  }
0x1: {  	(tag) =	ssettag $0x0;
	lr =	simm.s32 $0x1  }
0x2: {  	[smem:$0x3F9F] =	sst lr;
	_ =	strace $0xD0000000  }
0x3: {  	_ = 	snop  }
0x4: {  	_ = 	snop  }
0x5: {  	_ = 	snop  }
0x6: {  	_ = 	snop  }
0x7: {  	_ = 	snop  }
__scs_overlays_trampoline_lowered:
0x8: {  	[smem:$0x3FAE] =	sst s0  }
0x9: {  	[smem:$0x3FAF] =	sst s1  }
0xa: {  	[smem:$0x3FB0] =	sst s2  }
0xb: {  	[smem:$0x3FB1] =	sst s3  }
0xc: {  	[smem:$0x3FB2] =	sst s4  }
0xd: {  	[smem:$0x3FB3] =	sst s5  }
0xe: {  	[smem:$0x3FB4] =	sst s6  }
0xf: {  	[smem:$0x3FB5] =	sst s7  }
0x10: {  	[smem:$0x3FB6] =	sst s8  }
0x11: {  	[smem:$0x3FB7] =	sst s9;
	s0 =	simm.s32 @!p0 $0x0  }
0x12: {  	s1 =	sld [smem:$0x3F9D];
	s0 =	simm.s32 @p0 $0x1  }
0x13: {  	[smem:$0x3FB8] =	sst s0;
	s0 =	simm.s32 @!p1 $0x0  }
0x14: {  	s2 =	sld [smem:$0x3F9C];
	s0 =	simm.s32 @p1 $0x1  }
0x15: {  	[smem:$0x3FB9] =	sst s0;
	s0 =	simm.s32 @!p2 $0x0  }
0x16: {  	s3 =	sld [smem:$0x3FDB];
	s0 =	simm.s32 @p2 $0x1  }
0x17: {  	s4 =	simm.s32 $0x1BF5;
	[smem:$0x3FBB] =	sst s0  }
0x18: {  	s0 =	sld [smem:$0x3F9E];
	_ =	swait.ge [sflag:s4], $0x0  }
0x19: {  	s7 =	sld [smem:$0x3F9F]  }
0x1a: {  	s8 =	sadd.s32 $0xFFFFE003, lr  }
0x1b: {  	s9 =	sadd.s32 $0xFFFFFEF7, lr;
	s5 =	simm.s32 $0xFFFFFFFF;
	p2 =	slt.u32 s8, $0xFFFFF086  }
0x1c: {  	p1 =	slt.u32 s9, $0xF7A;
	s5 =	simm.s32 @!p2 $0x0  }
0x1d: {  	s5 =	simm.s32 @p1 $0x1;
	p0 =	seq.s32 s7, s2  }
0x1e: {  	s7 =	smul.u32 @!p0 $0xF7A, s2;
	p2 =	seq.s32 @!p0 s5, $0x0  }
0x1f: {  	s9 =	smul.u32 $0xF7A, s1;
	s8 =	simm.s32 @!p0 $0x1BF5;
	p2 =	por !p2, p0  }
0x20: {  	[sflag:s8] =	ssyncset.s32 @!p0 $0xFFFFF086;
	s6 =	sadd.s32 @!p0 s3, s7;
	s7 =	simm.s32 @!p0 $0x108  }
0x21: {  	s3 =	sadd.s32 s3, s9;
	s6 =	sadd.s32 @!p0 $0x88, s6;
	s7 =	simm.s32 @p2 $0x1082  }
0x22: {  	[simem:s7], [sflag:s8] =	dma.local @!p0 [hbm:s6], $0xF7A  }
0x23: {  	s9 =	sor.u32 $0xD0000000, s2;
	s6 =	simm.s32 $0x108;
	_ =	swait.ge @!p0 [sflag:s8], $0x0  }
0x24: {  	s3 =	sadd.s32 $0x88, s3;
	s6 =	simm.s32 @!p1 $0x1082;
	[sflag:s4] =	ssyncset.s32 $0xFFFFF086  }
0x25: {  	[simem:s6], [sflag:s4] =	dma.local [hbm:s3], $0xF7A  }
0x26: {  	[smem:$0x3F9F] =	sst s1;
	(tag) =	ssettag s2;
	_ =	strace s9  }
0x27: {  	s1 =	sld [smem:$0x3FAF]  }
0x28: {  	s2 =	sld [smem:$0x3FB0]  }
0x29: {  	s4 =	sld [smem:$0x3FB2]  }
0x2a: {  	p0 =	seq.s32 s5, $0x0;
	s5 =	sld [smem:$0x3FB3]  }
0x2b: {  	s6 =	sld [smem:$0x3FB4]  }
0x2c: {  	s7 =	sld [smem:$0x3FB5]  }
0x2d: {  	s3 =	simm.s32 $0x108;
	s8 =	sld [smem:$0x3FB6]  }
0x2e: {  	s3 =	simm.s32 @!p0 $0x1082;
	s9 =	sld [smem:$0x3FB7]  }
0x2f: {  	lr =	sadd.s32 s0, s3;
	s0 =	sld [smem:$0x3FAE]  }
0x30: {  	s3 =	sld [smem:$0x3FB1]  }
0x31: {  	[smem:$0x3FBA] =	sst s10  }
0x32: {  	s10 =	sld [smem:$0x3FB8];
	_ =	sdelay $0x3  }
0x33: {  	p0 =	seq.s32 s10, $0x1;
	s10 =	sld [smem:$0x3FBA];
	_ =	sdelay $0x3  }
0x34: {  	[smem:$0x3FBA] =	sst s10  }
0x35: {  	s10 =	sld [smem:$0x3FB9];
	_ =	sdelay $0x3  }
0x36: {  	p1 =	seq.s32 s10, $0x1;
	s10 =	sld [smem:$0x3FBA];
	_ =	sdelay $0x3  }
0x37: {  	[smem:$0x3FBA] =	sst s10  }
0x38: {  	s10 =	sld [smem:$0x3FBB]  }
0x39: {  	_ = 	snop;
	(pc) =	sbr.ind lr, $3  }
0x3a: {  	_ = 	snop  }
0x3b: {  	_ = 	snop  }
0x3c: {  	p2 =	seq.s32 s10, $0x1;
	s10 =	sld [smem:$0x3FBA]  }
0x3d: {  	_ =	shalt  }
0x3e: {  	_ =	shalt  }
0x3f: {  	_ =	shalt  }
0x40: {  	_ =	shalt  }
0x41: {  	_ =	shalt  }
0x42: {  	_ =	shalt  }
0x43: {  	_ =	shalt  }
0x44: {  	_ =	shalt  }
0x45: {  	_ =	shalt  }
0x46: {  	_ =	shalt  }
0x47: {  	_ =	shalt  }
0x48: {  	_ =	shalt  }
0x49: {  	_ =	shalt  }
0x4a: {  	_ =	shalt  }
0x4b: {  	_ =	shalt  }
0x4c: {  	_ =	shalt  }
0x4d: {  	_ =	shalt  }
0x4e: {  	_ =	shalt  }
0x4f: {  	_ =	shalt  }
0x50: {  	_ =	shalt  }
0x51: {  	_ =	shalt  }
0x52: {  	_ =	shalt  }
0x53: {  	_ =	shalt  }
0x54: {  	_ =	shalt  }
0x55: {  	_ =	shalt  }
0x56: {  	_ =	shalt  }
0x57: {  	_ =	shalt  }
0x58: {  	_ =	shalt  }
0x59: {  	_ =	shalt  }
0x5a: {  	_ =	shalt  }
0x5b: {  	_ =	shalt  }
0x5c: {  	_ =	shalt  }
0x5d: {  	_ =	shalt  }
0x5e: {  	_ =	shalt  }
0x5f: {  	_ =	shalt  }
0x60: {  	_ =	shalt  }
0x61: {  	_ =	shalt  }
0x62: {  	_ =	shalt  }
0x63: {  	_ =	shalt  }
0x64: {  	_ =	shalt  }
0x65: {  	_ =	shalt  }
0x66: {  	_ =	shalt  }
0x67: {  	_ =	shalt  }
0x68: {  	_ =	shalt  }
0x69: {  	_ =	shalt  }
0x6a: {  	_ =	shalt  }
0x6b: {  	_ =	shalt  }
0x6c: {  	_ =	shalt  }
0x6d: {  	_ =	shalt  }
0x6e: {  	_ =	shalt  }
0x6f: {  	_ =	shalt  }
0x70: {  	_ =	shalt  }
0x71: {  	_ =	shalt  }
0x72: {  	_ =	shalt  }
0x73: {  	_ =	shalt  }
0x74: {  	_ =	shalt  }
0x75: {  	_ =	shalt  }
0x76: {  	_ =	shalt  }
0x77: {  	_ =	shalt  }
0x78: {  	_ =	shalt  }
0x79: {  	_ =	shalt  }
0x7a: {  	_ =	shalt  }
0x7b: {  	_ =	shalt  }
0x7c: {  	_ =	shalt  }
0x7d: {  	_ =	shalt  }
0x7e: {  	_ =	shalt  }
0x7f: {  	_ =	shalt  }
0x80: {  	_ =	shalt  }
0x81: {  	_ =	shalt  }
0x82: {  	_ =	shalt  }
0x83: {  	_ =	shalt  }
0x84: {  	_ =	shalt  }
0x85: {  	_ =	shalt  }
0x86: {  	_ =	shalt  }
0x87: {  	_ =	shalt  }
.Lfunc_end0:
.L_simem_size_0:
called_computation_lowered:
.L_overlay_start_0:
0x88: {  	s2 =	sld [smem:$0x3FD9]  }
0x89: {  	s3 =	sld [smem:$0x3FFE];
	_ =	sdelay $0x1  }
0x8a: {  	s1 =	srdreg.scid  }
0x8b: {  	s0 =	sand.u32 $0x1, s1  }
0x8c: {  	s16 =	sshll.u32 s0, $0xA;
	s2 =	sadd.s32 s3, s2  }
0x8d: {  	s2 =	sadd.s32 s2, s16  }
0x8e: {  	[smem:$0x3FC6] =	sst s2  }
0x8f: {  	_ = 	snop  }
0x90: {  	(tm) =	ssettm $0x1  }
0x91: {  	s17 =	sld [smem:$0x3FFB];
	_ =	sdelay $0x3  }
0x92: {  	_ =	strace s17  }
0x93: {  	s2 =	sld [smem:$0x3FFC];
	_ =	sdelay $0x3  }
0x94: {  	_ =	strace s2  }
0x95: {  	s2 =	sld [smem:$0x3FFD];
	_ =	sdelay $0x3  }
0x96: {  	_ =	strace s2  }
0x97: {  	_ =	strace $0x8FFFFFFF  }
0x98: {  	s18 =	sld [smem:$0x3FDB];
	_ =	sdelay $0x1  }
0x99: {  	s19 =	simm.s32 $_scs_section_size  }
0x9a: {  	s4 =	simm.s32 $_size__tile_overlayer_lowered;
	s5 =	simm.s32 $_tile_overlayer_lowered  }
0x9b: {  	s22 =	simm.s32 $0x1BFF;
	s21 =	sshll.u32 s5, $0x1;
	s2 =	sadd.s32 s19, s18  }
0x9c: {  	s6 =	simm.s32 $0x0;
	s20 =	sshll.u32 s4, $0x1;
	s4 =	sadd.s32 s21, s2  }
0x9d: {  	[timem:s6], [sflag:s22] =	dma.local [hbm:s4], s20  }
0x9e: {  	_ =	swait.ge [sflag:s22], s20  }
0x9f: {  	s3 =	ssub.s32 $0x0, s20;
	[sflag:s22] =	ssyncset.done $0x0  }
0xa0: {  	[sflag:s22] =	ssyncadd.s32 s3;
	_ =	sdelay $0x1  }
0xa1: {  	s23 =	simm.s32 $0x1B8B  }
0xa2: {  	_ =	swait.ge [sflag:s23], $0x1  }
0xa3: {  	[sflag:s23] =	ssyncset.done $0x0  }
0xa4: {  	s25 =	simm.s32 $0x1B8E;
	s24 =	sld [smem:$0x3FFE];
	[sflag:s23] =	ssyncadd.s32 $0xFFFFFFFF  }
0xa5: {  	s26 =	simm.s32 $execute0_lowered;
	[smem:$0x3FD2] =	sst s25  }
0xa6: {  	s4 =	sshll.u32 s26, $0x1;
	_ =	strace $0x80000046;
	[dreg:$0x1] =	wrdreg $0xFFFFFFFF  }
0xa7: {  	s28 =	simm.s32 $_size_execute0_lowered;
	s2 =	sadd.s32 s2, s4;
	[dreg:$0x0] =	wrdreg $0x0  }
0xa8: {  	s4 =	sshll.u32 s28, $0x1;
	[dreg:$0x2] =	wrdreg s2  }
0xa9: {  	[dreg:$0x3] =	wrdreg s4  }
0xaa: {  	[dreg:$0x4] =	wrdreg $0xC0  }
0xab: {  	_ =	task [dreg:s6], $0x5FFFF  }
0xac: {  	[dreg:$0x1] =	wrdreg $0xFFFFFFFF  }
0xad: {  	[dreg:$0x0] =	wrdreg $0x60  }
0xae: {  	[dreg:$0x2] =	wrdreg s24  }
0xaf: {  	[dreg:$0x3] =	wrdreg $0x9  }
0xb0: {  	_ =	task.clear_ibuf [dreg:s6], $0x4FFFF;
	_ =	strace $0x90000046  }
0xb1: {  	s29 =	simm.s32 $0x9;
	_ =	strace $0x80000048  }
0xb2: {  	_ =	swait.ge [sflag:s29], $0x1  }
0xb3: {  	[sflag:s29] =	ssyncadd.s32 $0xFFFFFFFF  }
0xb4: {  	_ =	strace $0x90000048  }
0xb5: {  	_ =	sfence  }
0xb6: {  	s30 =	sld [smem:$0x0];
	_ =	sdelay $0x2  }
0xb7: {  	s31 =	sshll.u32 s1, $0xD;
	s1 =	sshrl.u32 s1, $0x2  }
0xb8: {  	s3 =	sand.u32 $0x4000, s31;
	s1 =	sadd.s32 s1, s30  }
0xb9: {  	s0 =	sor.u32 s3, s0;
	s1 =	sshll.u32 s1, $0x11  }
0xba: {  	s0 =	sor.u32 s1, s0  }
0xbb: {  	s0 =	sadd.s32 $0x8F2B, s0  }
0xbc: {  	[sflag:s0] =	ssyncadd.remote.s32 $0x1  }
0xbd: {  	_ =	sfence.sel $0xFFFF  }
0xbe: {  	[dreg:$0x0] =	wrdreg $0xFFFFFFFF;
	(pc) =	sbr.abs _section_cstart, $3  }
0xbf: {  	[dreg:$0x1] =	wrdreg $0xFFFFFFFF  }
0xc0: {  	_ =	task.clear_ibuf [dreg:s6], $0x2FFFF;
	_ =	strace $0x9FFFFFFF  }
0xc1: {  	(tm) =	ssettm $0x7FFFFFFF  }
tec
execute0_lowered:
.L_overlay_start_1:
0x0: {  	(tag) =	ssettag $0x1  }
0x1: {  	s1 =	srdreg.scid;
	s0 =	stileid.u32  }
0x2: {  	s3 =	rddreg [dreg:$0x0];
	s2 =	simm.s32 $0x0;
	s10 =	simm.s32 $0x3100  }
0x3: {  	s11 =	simm.s32 $0x3200;
	s4 =	sand.u32 $0x1, s1;
	s1 =	rddreg [dreg:$0x1]  }
0x4: {  	s12 =	simm.s32 $0x0;
	s5 =	sshll.u32 s0, $0x1;
	[smem:$0x7FF] =	sst s2  }
0x5: {  	s5 =	sor.u32 s4, s5;
	_ =	strace $0x80000047;
	s4 =	ssub.s32 $0x2, s4  }
0x6: {  	s6 =	smul.u32 $0x310, s5;
	s7 =	sshll.u32 s5, $0x5;
	s5 =	sshll.u32 s5, $0x4  }
0x7: {  	s8 =	sshrl.u32 s4, $0x1;
	s7 =	sadd.s32 s7, s3;
	s9 =	sadd.s32 s5, s3  }
0x8: {  	s8 =	ssub.s32 s4, s8;
	s6 =	sadd.s32 s6, s3;
	s5 =	sadd.s32 $0xD400, s7  }
0x9: {  	s7 =	smax.u32 s8, $0x1;
	s8 =	simm.s32 $0x1;
	s3 =	sadd.s32 $0x7200, s6  }
0xa: {  	v0 =	vimm.s32 $0x0;
	s4 =	sadd.s32 $0x1000, s6;
	s6 =	sadd.s32 $0xD800, s9;
	s9 =	simm.s32 $0x1880  }
.LBB2_1:
0xb: {  	[tilespmem:s2], [sflag:$0x1] =	stream.linear.gather [hbm4b:s3+s2], $0x1880, $0x38;
	[tilespmem:$0x3280] =	vst v63  }
0xc: {  	_ =	swait.ge [sflag:s8], $0x1880  }
0xd: {  	[sflag:s8] =	ssyncset.done $0x0  }
0xe: {  	[sflag:s8] =	ssyncadd.s32 $0xFFFFE780  }
0xf: {  	[tilespmem:s9], [sflag:$0x1] =	stream.linear.gather [hbm4b:s4+s2], $0x1880, $0x38;
	[tilespmem:$0x3280] =	vst v63  }
0x10: {  	_ =	swait.ge [sflag:s8], $0x1880  }
0x11: {  	[sflag:s8] =	ssyncset.done $0x0  }
0x12: {  	s14 =	simm.s32 $0x0;
	[sflag:s8] =	ssyncadd.s32 $0xFFFFE780  }
0x13: {  	v2 =	vld [tilespmem:s14+$0x0]  }
0x14: {  	v5 =	vld [tilespmem:s14+$0x1880]  }
0x15: {  	v1 =	vimm.f32 $+Inf;
	s13 =	simm.s32 $0x40;
	v4 =	vimm.s32 $0x0;
	v3 =	vimm.s32 $0x0  }
.LBB2_2:
0x16: {  	p0 =	sne.s32 s13, $0x61C0  }
.Ltmp0:
0x17: {  	s14 =	smov.u32 s13;
	s13 =	sadd.s32 $0x40, s13;
	(pc) =	sbr.rel @p0 .LBB2_2-.Ltmp0, $4  }
0x18: {  	s14 =	sshra.s32 s14, $0x2;
	vm0 =	vge.f32 v2, $0.0e+00;
	v6 =	vmin.f32 v1, v2  }
0x19: {  	v2 =	vld [tilespmem:s14+$0x0];
	v7 =	vsel vm0, $0x1, v0;
	vm1 =	vlt.f32 v5, $6.999999880e-01;
	v1 =	vsel vm0, v6, v1  }
0x1a: {  	v5 =	vld [tilespmem:s14+$0x1880];
	v4 =	vadd.s32 v7, v4;
	v6 =	vsel vm1, $0x1, v0  }
0x1b: {  	v3 =	vadd.s32 v6, v3  }
0x1c: {  	_ =	sdelay $0x1  }
0x1d: {  	vm0 =	vge.f32 v2, $0.0e+00;
	v2 =	vmin.f32 v1, v2  }
0x1e: {  	v6 =	vsel vm0, $0x1, v0;
	vm1 =	vlt.f32 v5, $6.999999880e-01;
	v1 =	vsel vm0, v2, v1  }
0x1f: {  	v4 =	vadd.s32 v6, v4;
	v5 =	vsel vm1, $0x1, v0;
	[tilespmem:$0x3200] =	vst v1  }
0x20: {  	v3 =	vadd.s32 v5, v3;
	[tilespmem:$0x3100] =	vst v4  }
0x21: {  	[tilespmem:$0x3180] =	vst v3  }
0x22: {  	[hbm4b:s5+s2] =	stream.linear.scatter [tilespmem:s10], [sflag:$0x1], $0x100, $0x38;
	[tilespmem:$0x3280] =	vst v63  }
0x23: {  	s12 =	sadd.s32 $0x1, s12;
	_ =	swait.ge [sflag:s8], $0x100  }
0x24: {  	p0 =	sne.s32 s12, s7;
	[sflag:s8] =	ssyncset.done $0x0  }
.Ltmp1:
0x25: {  	[sflag:s8] =	ssyncadd.s32 $0xFFFFFF00;
	(pc) =	sbr.rel @p0 .LBB2_1-.Ltmp1, $4  }
0x26: {  	[hbm4b:s6+s2] =	stream.linear.scatter [tilespmem:s11], [sflag:$0x1], $0x80, $0x38;
	[tilespmem:$0x3280] =	vst v63  }
0x27: {  	_ =	swait.ge [sflag:s8], $0x80  }
0x28: {  	[sflag:s8] =	ssyncset.done $0x0  }
0x29: {  	[sflag:s8] =	ssyncadd.s32 $0xFFFFFF80  }
0x2a: {  	_ =	sfence.sel $0x180000  }
0x2b: {  	[bflag:$0x0] =	sbarrier.arrive $0xFFFF  }
0x2c: {  	p0 =	sne.s32 s0, $0x0;
	_ =	strace $0x90000047  }
0x2d: {  	s0 =	sadd.s32 @!p0 $0x100000, s1;
	[bflag:$0x2] =	sbarrier.arrive $0xFFFF  }
0x2e: {  	[sflag:s0] =	ssyncadd.tile.s32 @!p0 $0x1;
	_ =	shalt  }
.Lfunc_end2:
_tile_overlayer_lowered:
.L_overlay_start_2:
0x2f: {  	(tag) =	ssettag $0x2  }
0x30: {  	s0 =	rddreg [dreg:$0x0];
	s2 =	stileid.u32  }
0x31: {  	s1 =	rddreg [dreg:$0x1];
	p0 =	sne.s32 s2, $0x0  }
0x32: {  	s3 =	rddreg [dreg:$0x2];
	[bflag:$0x3] =	sbarrier.arrive $0xFFFF;
	s2 =	simm.s32 @!p0 $0x1C01  }
0x33: {  	[timem:s3], [sflag:s2] =	dma.local @!p0 [hbm:s0], s1  }
0x34: {  	s0 =	simm.s32 @!p0 $0x1  }
0x35: {  	_ =	swait.ge @!p0 [sflag:s0], s1  }
0x36: {  	s1 =	ssub.s32 @!p0 $0x0, s1;
	[sflag:s0] =	ssyncset.done @!p0 $0x0  }
0x37: {  	[sflag:s0] =	ssyncadd.s32 @!p0 s1  }
0x38: {  	[bflag:$0x3] =	sbarrier.arrive $0xFFFF  }
0x39: {  	_ =	shalt  }

</sc_bundles>
